<compile_context>
chip_gen: v7x
topology: tpu7x:2x2x1
jax: 0.10.2.dev20260603
libtpu: 0.0.44.dev20260713+nightly
codegen_flags: <defaults>
</compile_context>

<pallas_src>
import functools

import jax
import jax.numpy as jnp
from jax import lax
from jax.experimental import pallas as pl
from jax.experimental.pallas import tpu as pltpu
from jax.experimental.pallas import tpu_sc as plsc

_B, _S, _V, _D, _NDOM, _L = 1024, 50, 100000, 768, 6, 32

_NC, _NS, _LANES = 2, 16, 16
_NW = _NC * _NS
_BPW = _B // _NW

_mesh = plsc.VectorSubcoreMesh(core_axis_name="c", subcore_axis_name="s")


@functools.partial(
    pl.kernel,
    mesh=_mesh,
    out_type=[
        jax.ShapeDtypeStruct((_B, _D), jnp.float32),
        jax.ShapeDtypeStruct((_B, _D), jnp.float32),
    ],
    scratch_types=[
        pltpu.VMEM((_BPW,), jnp.int32),
        pltpu.VMEM((_BPW,), jnp.int32),
        pltpu.VMEM((_BPW,), jnp.int32),
        pltpu.VMEM((_BPW,), jnp.int32),
        pltpu.VMEM((_BPW,), jnp.int32),
        pltpu.VMEM((_BPW,), jnp.int32),
        pltpu.VMEM((_BPW, _D), jnp.float32),
        pltpu.VMEM((_BPW, _D), jnp.float32),
        pltpu.SemaphoreType.DMA,
        pltpu.SemaphoreType.DMA,
    ],
)
def _sc_gather(sent_hbm, e1_hbm, e2_hbm, table_hbm, out1_hbm, out2_hbm,
               e1_v, e2_v, flat1_v, flat2_v, tok1_v, tok2_v,
               rows1_v, rows2_v, sem1, sem2):
    wid = lax.axis_index("s") * _NC + lax.axis_index("c")
    base = wid * _BPW
    c1 = pltpu.async_copy(e1_hbm.at[pl.ds(base, _BPW)], e1_v, sem1)
    c2 = pltpu.async_copy(e2_hbm.at[pl.ds(base, _BPW)], e2_v, sem2)
    c1.wait()
    for k in range(_BPW // _LANES):
        sl = pl.ds(k * _LANES, _LANES)
        row_base = (lax.iota(jnp.int32, _LANES) + (base + k * _LANES)) * _S
        flat1_v[sl] = row_base + e1_v[sl]
    tk1 = pltpu.async_copy(sent_hbm.at[flat1_v], tok1_v, sem1)
    c2.wait()
    for k in range(_BPW // _LANES):
        sl = pl.ds(k * _LANES, _LANES)
        row_base = (lax.iota(jnp.int32, _LANES) + (base + k * _LANES)) * _S
        flat2_v[sl] = row_base + e2_v[sl]
    tk2 = pltpu.async_copy(sent_hbm.at[flat2_v], tok2_v, sem2)
    tk1.wait()
    cp1 = pltpu.async_copy(table_hbm.at[tok1_v], rows1_v, sem1)
    tk2.wait()
    cp2 = pltpu.async_copy(table_hbm.at[tok2_v], rows2_v, sem2)
    cp1.wait()
    o1 = pltpu.async_copy(rows1_v, out1_hbm.at[pl.ds(base, _BPW)], sem1)
    cp2.wait()
    o2 = pltpu.async_copy(rows2_v, out2_hbm.at[pl.ds(base, _BPW)], sem2)
    o1.wait()
    o2.wait()


_BLK = 512


def _cls_body(x1_ref, x2_ref, dom_ref, ds_ref, wt_ref, b_ref,
              logits_ref, labels_ref):
    dom = dom_ref[:].reshape(_BLK, 1)
    acc = jnp.zeros((_BLK, _D), jnp.float32)
    for j in range(_NDOM):
        row = ds_ref[j, :]
        acc = jnp.where(dom == j, row[None, :], acc)
    x = jnp.concatenate([x1_ref[:] + acc, x2_ref[:] + acc], axis=-1)
    logits_t = lax.dot_general(wt_ref[:], x, (((1,), (1,)), ((), ())))
    logits_t = logits_t + b_ref[:][:, None]
    logits_ref[:] = logits_t
    m = jnp.max(logits_t, axis=0)
    idx = lax.broadcasted_iota(jnp.int32, (_L, _BLK), 0)
    labels_ref[:] = jnp.min(jnp.where(logits_t == m[None, :], idx, _L), axis=0)


_classify = pl.pallas_call(
    _cls_body,
    grid=(_B // _BLK,),
    in_specs=[
        pl.BlockSpec((_BLK, _D), lambda i: (i, 0)),
        pl.BlockSpec((_BLK, _D), lambda i: (i, 0)),
        pl.BlockSpec((_BLK,), lambda i: (i,)),
        pl.BlockSpec((_NDOM, _D), lambda i: (0, 0)),
        pl.BlockSpec((_L, 2 * _D), lambda i: (0, 0)),
        pl.BlockSpec((_L,), lambda i: (0,)),
    ],
    out_specs=[
        pl.BlockSpec((_L, _BLK), lambda i: (0, i)),
        pl.BlockSpec((_BLK,), lambda i: (i,)),
    ],
    out_shape=[
        jax.ShapeDtypeStruct((_L, _B), jnp.float32),
        jax.ShapeDtypeStruct((_B,), jnp.int32),
    ],
)


def kernel(sentences, entities_1, entities_2, domains, emb_table,
           dataset_embeds, W, b):
    sent_flat = sentences.astype(jnp.int32).reshape(_B * _S)
    e1 = entities_1.astype(jnp.int32)
    e2 = entities_2.astype(jnp.int32)
    dom = domains.astype(jnp.int32)
    x1, x2 = _sc_gather(sent_flat, e1, e2, emb_table)
    logits_t, labels_1d = _classify(x1, x2, dom, dataset_embeds, W.T, b)
    return labels_1d[:, None], logits_t.T

# --- scband reference (transcript-rebuilt; emitter-appended) ---
"""Pipeline reference for scband-embedding-classifier-10866267259526 (READ-ONLY COPY).

The authoritative reference and input builder live on the scoring server;
editing this copy changes nothing except your own understanding.
"""

import jax, jax.numpy as jnp
import numpy as np

B, S, V, D, NDOM, L = 1024, 50, 100000, 768, 6, 32

def setup_inputs(seed: int = 0) -> dict:
    key = jax.random.key(seed)
    ks = jax.random.split(key, 8)
    sentences = jax.random.randint(ks[0], (B, S), 0, V)
    entities_1 = jax.random.randint(ks[1], (B,), 0, S)
    entities_2 = jax.random.randint(ks[2], (B,), 0, S)
    domains = jax.random.randint(ks[3], (B,), 0, NDOM)
    emb_table = jax.random.normal(ks[4], (V, D), dtype=jnp.float32) * 0.02
    dataset_embeds = jax.random.normal(ks[5], (NDOM, D), dtype=jnp.float32)
    W = jax.random.normal(ks[6], (2 * D, L), dtype=jnp.float32) * 0.02
    b = jnp.zeros((L,), dtype=jnp.float32)
    return {"sentences": sentences, "entities_1": entities_1, "entities_2": entities_2,
            "domains": domains, "emb_table": emb_table, "dataset_embeds": dataset_embeds,
            "W": W, "b": b}


def reference(sentences, entities_1, entities_2, domains, emb_table, dataset_embeds, W, b):
    # emb_model: token embedding lookup -> emb_tokens [B, S, D]
    emb_tokens = jnp.take(emb_table, sentences, axis=0)
    # attention mask: all tokens valid (att_tokens == 1 everywhere)
    att_tokens = jnp.ones(sentences.shape, dtype=jnp.float32)
    # domain embedding broadcast to every attended token position (the per-(i,j) loop)
    data_ids = jnp.take(dataset_embeds, domains, axis=0)[:, None, :] * att_tokens[:, :, None]
    emb_tokens = emb_tokens + data_ids
    # get_marker_embeddings pooling: gather entity-1 and entity-2 token embeddings, concat -> [B, 2D]
    e1 = jnp.take_along_axis(emb_tokens, entities_1[:, None, None], axis=1)[:, 0, :]
    e2 = jnp.take_along_axis(emb_tokens, entities_2[:, None, None], axis=1)[:, 0, :]
    emb_sentences = jnp.concatenate([e1, e2], axis=-1)
    # lbl_model: linear classifier
    flat_logits = emb_sentences @ W + b
    # logits tensor [B, 1, L]: att_sentences mask is all-ones so every row is written
    logits = flat_logits[:, None, :]
    # get_labels: argmax; no -inf rows remain since mask is all-ones
    labels = jnp.argmax(logits, axis=-1)
    return (labels, flat_logits)

if __name__ == "__main__":
    import jax
    _d = setup_inputs()
    print(jax.jit(kernel)(*tuple(_d.values())))

</pallas_src>

<mosaic_0001>
#map = affine_map<(d0, d1) -> (0)>
#map1 = affine_map<(d0, d1) -> (0, 0)>
module attributes {stable_mosaic.version = 14 : i64} {
  func.func @_sc_gather(%arg0: i32, %arg1: i32, %arg2: memref<51200xi32, #tpu.memory_space<hbm>>, %arg3: memref<1024xi32, #tpu.memory_space<hbm>>, %arg4: memref<1024xi32, #tpu.memory_space<hbm>>, %arg5: memref<100000x768xf32, #tpu.memory_space<hbm>>, %arg6: memref<1024x768xf32, #tpu.memory_space<hbm>>, %arg7: memref<1024x768xf32, #tpu.memory_space<hbm>>, %arg8: memref<32xi32, #tpu.memory_space<vmem>>, %arg9: memref<32xi32, #tpu.memory_space<vmem>>, %arg10: memref<32xi32, #tpu.memory_space<vmem>>, %arg11: memref<32xi32, #tpu.memory_space<vmem>>, %arg12: memref<32xi32, #tpu.memory_space<vmem>>, %arg13: memref<32xi32, #tpu.memory_space<vmem>>, %arg14: memref<32x768xf32, #tpu.memory_space<vmem>>, %arg15: memref<32x768xf32, #tpu.memory_space<vmem>>, %arg16: memref<!tpu.dma_semaphore, #tpu.memory_space<semaphore_mem>>, %arg17: memref<!tpu.dma_semaphore, #tpu.memory_space<semaphore_mem>>) attributes {dimension_semantics = [#tpu.dimension_semantics<core_parallel>, #tpu.dimension_semantics<subcore_parallel>], iteration_bounds = array<i64: 2, 16>, scalar_prefetch = 0 : i64, scratch_operands = 10 : i64, tpu.core_type = #tpu.core_type<sc_vector_subcore>, window_params = [{transform_indices = #map}, {transform_indices = #map}, {transform_indices = #map}, {transform_indices = #map1}, {transform_indices = #map1}, {transform_indices = #map1}]} {
    %mul3A = arith.constant 2 : i32
    %mul3A_0 = arith.muli %arg1, %mul3A : i32
    %add3A = arith.addi %mul3A_0, %arg0 : i32
    %mul3A_1 = arith.constant 32 : i32
    %mul3A_2 = arith.muli %add3A, %mul3A_1 : i32
    %dma_start3A = tpu.memref_slice %arg3[%mul3A_2] : memref<1024xi32, #tpu.memory_space<hbm>> -> memref<32xi32, #tpu.memory_space<hbm>>
    %dma_start3A_3 = tpu.memref_slice %arg3[%mul3A_2] : memref<1024xi32, #tpu.memory_space<hbm>> -> memref<32xi32, #tpu.memory_space<hbm>>
    tpu.enqueue_dma source(%dma_start3A_3 : memref<32xi32, #tpu.memory_space<hbm>>) target(%arg8 : memref<32xi32, #tpu.memory_space<vmem>>) target_semaphore(%arg16 : memref<!tpu.dma_semaphore, #tpu.memory_space<semaphore_mem>>)
    %dma_start3A_4 = tpu.memref_slice %arg4[%mul3A_2] : memref<1024xi32, #tpu.memory_space<hbm>> -> memref<32xi32, #tpu.memory_space<hbm>>
    %dma_start3A_5 = tpu.memref_slice %arg4[%mul3A_2] : memref<1024xi32, #tpu.memory_space<hbm>> -> memref<32xi32, #tpu.memory_space<hbm>>
    tpu.enqueue_dma source(%dma_start3A_5 : memref<32xi32, #tpu.memory_space<hbm>>) target(%arg9 : memref<32xi32, #tpu.memory_space<vmem>>) target_semaphore(%arg17 : memref<!tpu.dma_semaphore, #tpu.memory_space<semaphore_mem>>)
    %dma_wait3A = tpu.memref_slice %arg3[%mul3A_2] : memref<1024xi32, #tpu.memory_space<hbm>> -> memref<32xi32, #tpu.memory_space<hbm>>
    %dma_wait3A_6 = tpu.memref_slice %arg3[%mul3A_2] : memref<1024xi32, #tpu.memory_space<hbm>> -> memref<32xi32, #tpu.memory_space<hbm>>
    tpu.wait_dma2 semaphore(%arg16 : memref<!tpu.dma_semaphore, #tpu.memory_space<semaphore_mem>>) src(%dma_wait3A_6 : memref<32xi32, #tpu.memory_space<hbm>>) dst(%arg8 : memref<32xi32, #tpu.memory_space<vmem>>)
    %iota3A = tpu.iota {dimensions = array<i32: 0>} : vector<16xi32>
    %add3A_7 = arith.constant 0 : i32
    %add3A_8 = arith.addi %mul3A_2, %add3A_7 : i32
    %add3A_9 = vector.broadcast %add3A_8 : i32 to vector<16xi32>
    %add3A_10 = arith.addi %iota3A, %add3A_9 : vector<16xi32>
    %mul3A_11 = arith.constant 50 : i32
    %mul3A_12 = vector.broadcast %mul3A_11 : i32 to vector<16xi32>
    %mul3A_13 = arith.muli %add3A_10, %mul3A_12 : vector<16xi32>
    %get3A = arith.constant 0 : index
    %get3A_14 = tpu.vector_load %arg8[%get3A] {strides = array<i32>} : memref<32xi32, #tpu.memory_space<vmem>>, vector<16xi32>,
    %get3A_15 = vector.shape_cast %get3A_14 : vector<16xi32> to vector<16xi32>
    %add3A_16 = arith.addi %mul3A_13, %get3A_15 : vector<16xi32>
    %swap3A = arith.constant 0 : index
    %swap3A_17 = tpu.vector_load %arg10[%swap3A] {strides = array<i32>} : memref<32xi32, #tpu.memory_space<vmem>>, vector<16xi32>,
    %swap3A_18 = vector.shape_cast %swap3A_17 : vector<16xi32> to vector<16xi32>
    %swap3A_19 = vector.shape_cast %add3A_16 : vector<16xi32> to vector<16xi32>
    tpu.vector_store %arg10[%swap3A], %swap3A_19 {strides = array<i32>} : memref<32xi32, #tpu.memory_space<vmem>>, vector<16xi32>,
    %iota3A_20 = tpu.iota {dimensions = array<i32: 0>} : vector<16xi32>
    %add3A_21 = arith.constant 16 : i32
    %add3A_22 = arith.addi %mul3A_2, %add3A_21 : i32
    %add3A_23 = vector.broadcast %add3A_22 : i32 to vector<16xi32>
    %add3A_24 = arith.addi %iota3A_20, %add3A_23 : vector<16xi32>
    %mul3A_25 = arith.constant 50 : i32
    %mul3A_26 = vector.broadcast %mul3A_25 : i32 to vector<16xi32>
    %mul3A_27 = arith.muli %add3A_24, %mul3A_26 : vector<16xi32>
    %get3A_28 = arith.constant 16 : index
    %get3A_29 = tpu.vector_load %arg8[%get3A_28] {strides = array<i32>} : memref<32xi32, #tpu.memory_space<vmem>>, vector<16xi32>,
    %get3A_30 = vector.shape_cast %get3A_29 : vector<16xi32> to vector<16xi32>
    %add3A_31 = arith.addi %mul3A_27, %get3A_30 : vector<16xi32>
    %swap3A_32 = arith.constant 16 : index
    %swap3A_33 = tpu.vector_load %arg10[%swap3A_32] {strides = array<i32>} : memref<32xi32, #tpu.memory_space<vmem>>, vector<16xi32>,
    %swap3A_34 = vector.shape_cast %swap3A_33 : vector<16xi32> to vector<16xi32>
    %swap3A_35 = vector.shape_cast %add3A_31 : vector<16xi32> to vector<16xi32>
    tpu.vector_store %arg10[%swap3A_32], %swap3A_35 {strides = array<i32>} : memref<32xi32, #tpu.memory_space<vmem>>, vector<16xi32>,
    %dma_start3A_36 = arith.constant 0 : i32
    %dma_start3A_37 = tpu.memref_slice %arg2[%dma_start3A_36] : memref<51200xi32, #tpu.memory_space<hbm>> -> memref<51200xi32, #tpu.memory_space<hbm>>
    tpu.enqueue_indirect_dma source(%dma_start3A_37 : memref<51200xi32, #tpu.memory_space<hbm>>) target(%arg12 : memref<32xi32, #tpu.memory_space<vmem>>) offsets(%arg10 : memref<32xi32, #tpu.memory_space<vmem>>) semaphore(%arg16 : memref<!tpu.dma_semaphore, #tpu.memory_space<semaphore_mem>>)
    %dma_wait3A_38 = tpu.memref_slice %arg4[%mul3A_2] : memref<1024xi32, #tpu.memory_space<hbm>> -> memref<32xi32, #tpu.memory_space<hbm>>
    %dma_wait3A_39 = tpu.memref_slice %arg4[%mul3A_2] : memref<1024xi32, #tpu.memory_space<hbm>> -> memref<32xi32, #tpu.memory_space<hbm>>
    tpu.wait_dma2 semaphore(%arg17 : memref<!tpu.dma_semaphore, #tpu.memory_space<semaphore_mem>>) src(%dma_wait3A_39 : memref<32xi32, #tpu.memory_space<hbm>>) dst(%arg9 : memref<32xi32, #tpu.memory_space<vmem>>)
    %iota3A_40 = tpu.iota {dimensions = array<i32: 0>} : vector<16xi32>
    %add3A_41 = arith.constant 0 : i32
    %add3A_42 = arith.addi %mul3A_2, %add3A_41 : i32
    %add3A_43 = vector.broadcast %add3A_42 : i32 to vector<16xi32>
    %add3A_44 = arith.addi %iota3A_40, %add3A_43 : vector<16xi32>
    %mul3A_45 = arith.constant 50 : i32
    %mul3A_46 = vector.broadcast %mul3A_45 : i32 to vector<16xi32>
    %mul3A_47 = arith.muli %add3A_44, %mul3A_46 : vector<16xi32>
    %get3A_48 = arith.constant 0 : index
    %get3A_49 = tpu.vector_load %arg9[%get3A_48] {strides = array<i32>} : memref<32xi32, #tpu.memory_space<vmem>>, vector<16xi32>,
    %get3A_50 = vector.shape_cast %get3A_49 : vector<16xi32> to vector<16xi32>
    %add3A_51 = arith.addi %mul3A_47, %get3A_50 : vector<16xi32>
    %swap3A_52 = arith.constant 0 : index
    %swap3A_53 = tpu.vector_load %arg11[%swap3A_52] {strides = array<i32>} : memref<32xi32, #tpu.memory_space<vmem>>, vector<16xi32>,
    %swap3A_54 = vector.shape_cast %swap3A_53 : vector<16xi32> to vector<16xi32>
    %swap3A_55 = vector.shape_cast %add3A_51 : vector<16xi32> to vector<16xi32>
    tpu.vector_store %arg11[%swap3A_52], %swap3A_55 {strides = array<i32>} : memref<32xi32, #tpu.memory_space<vmem>>, vector<16xi32>,
    %iota3A_56 = tpu.iota {dimensions = array<i32: 0>} : vector<16xi32>
    %add3A_57 = arith.constant 16 : i32
    %add3A_58 = arith.addi %mul3A_2, %add3A_57 : i32
    %add3A_59 = vector.broadcast %add3A_58 : i32 to vector<16xi32>
    %add3A_60 = arith.addi %iota3A_56, %add3A_59 : vector<16xi32>
    %mul3A_61 = arith.constant 50 : i32
    %mul3A_62 = vector.broadcast %mul3A_61 : i32 to vector<16xi32>
    %mul3A_63 = arith.muli %add3A_60, %mul3A_62 : vector<16xi32>
    %get3A_64 = arith.constant 16 : index
    %get3A_65 = tpu.vector_load %arg9[%get3A_64] {strides = array<i32>} : memref<32xi32, #tpu.memory_space<vmem>>, vector<16xi32>,
    %get3A_66 = vector.shape_cast %get3A_65 : vector<16xi32> to vector<16xi32>
    %add3A_67 = arith.addi %mul3A_63, %get3A_66 : vector<16xi32>
    %swap3A_68 = arith.constant 16 : index
    %swap3A_69 = tpu.vector_load %arg11[%swap3A_68] {strides = array<i32>} : memref<32xi32, #tpu.memory_space<vmem>>, vector<16xi32>,
    %swap3A_70 = vector.shape_cast %swap3A_69 : vector<16xi32> to vector<16xi32>
    %swap3A_71 = vector.shape_cast %add3A_67 : vector<16xi32> to vector<16xi32>
    tpu.vector_store %arg11[%swap3A_68], %swap3A_71 {strides = array<i32>} : memref<32xi32, #tpu.memory_space<vmem>>, vector<16xi32>,
    %dma_start3A_72 = arith.constant 0 : i32
    %dma_start3A_73 = tpu.memref_slice %arg2[%dma_start3A_72] : memref<51200xi32, #tpu.memory_space<hbm>> -> memref<51200xi32, #tpu.memory_space<hbm>>
    tpu.enqueue_indirect_dma source(%dma_start3A_73 : memref<51200xi32, #tpu.memory_space<hbm>>) target(%arg13 : memref<32xi32, #tpu.memory_space<vmem>>) offsets(%arg11 : memref<32xi32, #tpu.memory_space<vmem>>) semaphore(%arg17 : memref<!tpu.dma_semaphore, #tpu.memory_space<semaphore_mem>>)
    %dma_wait3A_74 = arith.constant 0 : i32
    %dma_wait3A_75 = tpu.memref_slice %arg2[%dma_wait3A_74] : memref<51200xi32, #tpu.memory_space<hbm>> -> memref<51200xi32, #tpu.memory_space<hbm>>
    tpu.wait_indirect_dma semaphore(%arg16 : memref<!tpu.dma_semaphore, #tpu.memory_space<semaphore_mem>>) src(%dma_wait3A_75 : memref<51200xi32, #tpu.memory_space<hbm>>) dst(%arg12 : memref<32xi32, #tpu.memory_space<vmem>>)
    %dma_start3A_76 = arith.constant 0 : i32
    %dma_start3A_77 = arith.constant 0 : i32
    %dma_start3A_78 = tpu.memref_slice %arg5[%dma_start3A_76, %dma_start3A_77] : memref<100000x768xf32, #tpu.memory_space<hbm>> -> memref<100000x768xf32, #tpu.memory_space<hbm>>
    tpu.enqueue_indirect_dma source(%dma_start3A_78 : memref<100000x768xf32, #tpu.memory_space<hbm>>) target(%arg14 : memref<32x768xf32, #tpu.memory_space<vmem>>) offsets(%arg12 : memref<32xi32, #tpu.memory_space<vmem>>) semaphore(%arg16 : memref<!tpu.dma_semaphore, #tpu.memory_space<semaphore_mem>>)
    %dma_wait3A_79 = arith.constant 0 : i32
    %dma_wait3A_80 = tpu.memref_slice %arg2[%dma_wait3A_79] : memref<51200xi32, #tpu.memory_space<hbm>> -> memref<51200xi32, #tpu.memory_space<hbm>>
    tpu.wait_indirect_dma semaphore(%arg17 : memref<!tpu.dma_semaphore, #tpu.memory_space<semaphore_mem>>) src(%dma_wait3A_80 : memref<51200xi32, #tpu.memory_space<hbm>>) dst(%arg13 : memref<32xi32, #tpu.memory_space<vmem>>)
    %dma_start3A_81 = arith.constant 0 : i32
    %dma_start3A_82 = arith.constant 0 : i32
    %dma_start3A_83 = tpu.memref_slice %arg5[%dma_start3A_81, %dma_start3A_82] : memref<100000x768xf32, #tpu.memory_space<hbm>> -> memref<100000x768xf32, #tpu.memory_space<hbm>>
    tpu.enqueue_indirect_dma source(%dma_start3A_83 : memref<100000x768xf32, #tpu.memory_space<hbm>>) target(%arg15 : memref<32x768xf32, #tpu.memory_space<vmem>>) offsets(%arg13 : memref<32xi32, #tpu.memory_space<vmem>>) semaphore(%arg17 : memref<!tpu.dma_semaphore, #tpu.memory_space<semaphore_mem>>)
    %dma_wait3A_84 = arith.constant 0 : i32
    %dma_wait3A_85 = arith.constant 0 : i32
    %dma_wait3A_86 = tpu.memref_slice %arg5[%dma_wait3A_84, %dma_wait3A_85] : memref<100000x768xf32, #tpu.memory_space<hbm>> -> memref<100000x768xf32, #tpu.memory_space<hbm>>
    tpu.wait_indirect_dma semaphore(%arg16 : memref<!tpu.dma_semaphore, #tpu.memory_space<semaphore_mem>>) src(%dma_wait3A_86 : memref<100000x768xf32, #tpu.memory_space<hbm>>) dst(%arg14 : memref<32x768xf32, #tpu.memory_space<vmem>>)
    %dma_start3A_87 = arith.constant 0 : i32
    %dma_start3A_88 = tpu.memref_slice %arg6[%mul3A_2, %dma_start3A_87] : memref<1024x768xf32, #tpu.memory_space<hbm>> -> memref<32x768xf32, #tpu.memory_space<hbm>>
    %dma_start3A_89 = arith.constant 0 : i32
    %dma_start3A_90 = tpu.memref_slice %arg6[%mul3A_2, %dma_start3A_89] : memref<1024x768xf32, #tpu.memory_space<hbm>> -> memref<32x768xf32, #tpu.memory_space<hbm>>
    tpu.enqueue_dma source(%arg14 : memref<32x768xf32, #tpu.memory_space<vmem>>) target(%dma_start3A_90 : memref<32x768xf32, #tpu.memory_space<hbm>>) target_semaphore(%arg16 : memref<!tpu.dma_semaphore, #tpu.memory_space<semaphore_mem>>)
    %dma_wait3A_91 = arith.constant 0 : i32
    %dma_wait3A_92 = arith.constant 0 : i32
    %dma_wait3A_93 = tpu.memref_slice %arg5[%dma_wait3A_91, %dma_wait3A_92] : memref<100000x768xf32, #tpu.memory_space<hbm>> -> memref<100000x768xf32, #tpu.memory_space<hbm>>
    tpu.wait_indirect_dma semaphore(%arg17 : memref<!tpu.dma_semaphore, #tpu.memory_space<semaphore_mem>>) src(%dma_wait3A_93 : memref<100000x768xf32, #tpu.memory_space<hbm>>) dst(%arg15 : memref<32x768xf32, #tpu.memory_space<vmem>>)
    %dma_start3A_94 = arith.constant 0 : i32
    %dma_start3A_95 = tpu.memref_slice %arg7[%mul3A_2, %dma_start3A_94] : memref<1024x768xf32, #tpu.memory_space<hbm>> -> memref<32x768xf32, #tpu.memory_space<hbm>>
    %dma_start3A_96 = arith.constant 0 : i32
    %dma_start3A_97 = tpu.memref_slice %arg7[%mul3A_2, %dma_start3A_96] : memref<1024x768xf32, #tpu.memory_space<hbm>> -> memref<32x768xf32, #tpu.memory_space<hbm>>
    tpu.enqueue_dma source(%arg15 : memref<32x768xf32, #tpu.memory_space<vmem>>) target(%dma_start3A_97 : memref<32x768xf32, #tpu.memory_space<hbm>>) target_semaphore(%arg17 : memref<!tpu.dma_semaphore, #tpu.memory_space<semaphore_mem>>)
    %dma_wait3A_98 = arith.constant 0 : i32
    %dma_wait3A_99 = tpu.memref_slice %arg6[%mul3A_2, %dma_wait3A_98] : memref<1024x768xf32, #tpu.memory_space<hbm>> -> memref<32x768xf32, #tpu.memory_space<hbm>>
    %dma_wait3A_100 = arith.constant 0 : i32
    %dma_wait3A_101 = tpu.memref_slice %arg6[%mul3A_2, %dma_wait3A_100] : memref<1024x768xf32, #tpu.memory_space<hbm>> -> memref<32x768xf32, #tpu.memory_space<hbm>>
    tpu.wait_dma2 semaphore(%arg16 : memref<!tpu.dma_semaphore, #tpu.memory_space<semaphore_mem>>) src(%arg14 : memref<32x768xf32, #tpu.memory_space<vmem>>) dst(%dma_wait3A_101 : memref<32x768xf32, #tpu.memory_space<hbm>>)
    %dma_wait3A_102 = arith.constant 0 : i32
    %dma_wait3A_103 = tpu.memref_slice %arg7[%mul3A_2, %dma_wait3A_102] : memref<1024x768xf32, #tpu.memory_space<hbm>> -> memref<32x768xf32, #tpu.memory_space<hbm>>
    %dma_wait3A_104 = arith.constant 0 : i32
    %dma_wait3A_105 = tpu.memref_slice %arg7[%mul3A_2, %dma_wait3A_104] : memref<1024x768xf32, #tpu.memory_space<hbm>> -> memref<32x768xf32, #tpu.memory_space<hbm>>
    tpu.wait_dma2 semaphore(%arg17 : memref<!tpu.dma_semaphore, #tpu.memory_space<semaphore_mem>>) src(%arg15 : memref<32x768xf32, #tpu.memory_space<vmem>>) dst(%dma_wait3A_105 : memref<32x768xf32, #tpu.memory_space<hbm>>)
    return
  }
}

module attributes {stable_mosaic.version = 14 : i64} {
  func.func @_cls_body(%arg0: i32, %arg1: memref<512x768xf32, #tpu.memory_space<vmem>>, %arg2: memref<512x768xf32, #tpu.memory_space<vmem>>, %arg3: memref<512xi32, #tpu.memory_space<vmem>>, %arg4: memref<6x768xf32, #tpu.memory_space<vmem>>, %arg5: memref<32x1536xf32, #tpu.memory_space<vmem>>, %arg6: memref<32xf32, #tpu.memory_space<vmem>>, %arg7: memref<32x512xf32, #tpu.memory_space<vmem>>, %arg8: memref<512xi32, #tpu.memory_space<vmem>>) attributes {dimension_semantics = [#tpu.dimension_semantics<arbitrary>], iteration_bounds = array<i64: 2>, scalar_prefetch = 0 : i64, scratch_operands = 0 : i64, tpu.core_type = #tpu.core_type<tc>, window_params = [{transform_indices = @transform_0, window_bounds = array<i64: 512, 768>}, {transform_indices = @transform_1, window_bounds = array<i64: 512, 768>}, {transform_indices = @transform_2, window_bounds = array<i64: 512>}, {pipeline_mode = #tpu.pipeline_mode<synchronous>, transform_indices = @transform_3, window_bounds = array<i64: 6, 768>}, {pipeline_mode = #tpu.pipeline_mode<synchronous>, transform_indices = @transform_4, window_bounds = array<i64: 32, 1536>}, {pipeline_mode = #tpu.pipeline_mode<synchronous>, transform_indices = @transform_5, window_bounds = array<i64: 32>}, {transform_indices = @transform_6, window_bounds = array<i64: 32, 512>}, {transform_indices = @transform_7, window_bounds = array<i64: 512>}]} {
    %get3A = arith.constant 0 : index
    %get3A_0 = vector.load %arg3[%get3A] : memref<512xi32, #tpu.memory_space<vmem>>, vector<512xi32>
    %reshape3A = vector.shape_cast %get3A_0 : vector<512xi32> to vector<512x1xi32>
    %broadcast_in_dim3A = arith.constant 0.000000e+00 : f32
    %broadcast_in_dim3A_1 = vector.broadcast %broadcast_in_dim3A : f32 to vector<512x768xf32>
    %get3A_2 = arith.constant 0 : index
    %get3A_3 = arith.constant 0 : index
    %get3A_4 = vector.load %arg4[%get3A_2, %get3A_3] : memref<6x768xf32, #tpu.memory_space<vmem>>, vector<1x768xf32>
    %get3A_5 = vector.shape_cast %get3A_4 : vector<1x768xf32> to vector<768xf32>
    %eq3A = arith.constant 0 : i32
    %eq3A_6 = vector.broadcast %eq3A : i32 to vector<512x1xi32>
    %eq3A_7 = arith.cmpi eq, %reshape3A, %eq3A_6 : vector<512x1xi32>
    %broadcast_in_dim3A_8 = vector.shape_cast %get3A_5 : vector<768xf32> to vector<1x768xf32>
    %broadcast_in_dim3A_9 = vector.shape_cast %eq3A_7 : vector<512x1xi1> to vector<512x1xi1>
    %broadcast_in_dim3A_10 = vector.broadcast %broadcast_in_dim3A_9 : vector<512x1xi1> to vector<512x768xi1>
    %broadcast_in_dim3A_11 = vector.shape_cast %broadcast_in_dim3A_8 : vector<1x768xf32> to vector<1x768xf32>
    %broadcast_in_dim3A_12 = vector.broadcast %broadcast_in_dim3A_11 : vector<1x768xf32> to vector<512x768xf32>
    %select_n3A = arith.select %broadcast_in_dim3A_10, %broadcast_in_dim3A_12, %broadcast_in_dim3A_1 : vector<512x768xi1>, vector<512x768xf32>
    %get3A_13 = arith.constant 1 : index
    %get3A_14 = arith.constant 0 : index
    %get3A_15 = vector.load %arg4[%get3A_13, %get3A_14] : memref<6x768xf32, #tpu.memory_space<vmem>>, vector<1x768xf32>
    %get3A_16 = vector.shape_cast %get3A_15 : vector<1x768xf32> to vector<768xf32>
    %eq3A_17 = arith.constant 1 : i32
    %eq3A_18 = vector.broadcast %eq3A_17 : i32 to vector<512x1xi32>
    %eq3A_19 = arith.cmpi eq, %reshape3A, %eq3A_18 : vector<512x1xi32>
    %broadcast_in_dim3A_20 = vector.shape_cast %get3A_16 : vector<768xf32> to vector<1x768xf32>
    %broadcast_in_dim3A_21 = vector.shape_cast %eq3A_19 : vector<512x1xi1> to vector<512x1xi1>
    %broadcast_in_dim3A_22 = vector.broadcast %broadcast_in_dim3A_21 : vector<512x1xi1> to vector<512x768xi1>
    %broadcast_in_dim3A_23 = vector.shape_cast %broadcast_in_dim3A_20 : vector<1x768xf32> to vector<1x768xf32>
    %broadcast_in_dim3A_24 = vector.broadcast %broadcast_in_dim3A_23 : vector<1x768xf32> to vector<512x768xf32>
    %select_n3A_25 = arith.select %broadcast_in_dim3A_22, %broadcast_in_dim3A_24, %select_n3A : vector<512x768xi1>, vector<512x768xf32>
    %get3A_26 = arith.constant 2 : index
    %get3A_27 = arith.constant 0 : index
    %get3A_28 = vector.load %arg4[%get3A_26, %get3A_27] : memref<6x768xf32, #tpu.memory_space<vmem>>, vector<1x768xf32>
    %get3A_29 = vector.shape_cast %get3A_28 : vector<1x768xf32> to vector<768xf32>
    %eq3A_30 = arith.constant 2 : i32
    %eq3A_31 = vector.broadcast %eq3A_30 : i32 to vector<512x1xi32>
    %eq3A_32 = arith.cmpi eq, %reshape3A, %eq3A_31 : vector<512x1xi32>
    %broadcast_in_dim3A_33 = vector.shape_cast %get3A_29 : vector<768xf32> to vector<1x768xf32>
    %broadcast_in_dim3A_34 = vector.shape_cast %eq3A_32 : vector<512x1xi1> to vector<512x1xi1>
    %broadcast_in_dim3A_35 = vector.broadcast %broadcast_in_dim3A_34 : vector<512x1xi1> to vector<512x768xi1>
    %broadcast_in_dim3A_36 = vector.shape_cast %broadcast_in_dim3A_33 : vector<1x768xf32> to vector<1x768xf32>
    %broadcast_in_dim3A_37 = vector.broadcast %broadcast_in_dim3A_36 : vector<1x768xf32> to vector<512x768xf32>
    %select_n3A_38 = arith.select %broadcast_in_dim3A_35, %broadcast_in_dim3A_37, %select_n3A_25 : vector<512x768xi1>, vector<512x768xf32>
    %get3A_39 = arith.constant 3 : index
    %get3A_40 = arith.constant 0 : index
    %get3A_41 = vector.load %arg4[%get3A_39, %get3A_40] : memref<6x768xf32, #tpu.memory_space<vmem>>, vector<1x768xf32>
    %get3A_42 = vector.shape_cast %get3A_41 : vector<1x768xf32> to vector<768xf32>
    %eq3A_43 = arith.constant 3 : i32
    %eq3A_44 = vector.broadcast %eq3A_43 : i32 to vector<512x1xi32>
    %eq3A_45 = arith.cmpi eq, %reshape3A, %eq3A_44 : vector<512x1xi32>
    %broadcast_in_dim3A_46 = vector.shape_cast %get3A_42 : vector<768xf32> to vector<1x768xf32>
    %broadcast_in_dim3A_47 = vector.shape_cast %eq3A_45 : vector<512x1xi1> to vector<512x1xi1>
    %broadcast_in_dim3A_48 = vector.broadcast %broadcast_in_dim3A_47 : vector<512x1xi1> to vector<512x768xi1>
    %broadcast_in_dim3A_49 = vector.shape_cast %broadcast_in_dim3A_46 : vector<1x768xf32> to vector<1x768xf32>
    %broadcast_in_dim3A_50 = vector.broadcast %broadcast_in_dim3A_49 : vector<1x768xf32> to vector<512x768xf32>
    %select_n3A_51 = arith.select %broadcast_in_dim3A_48, %broadcast_in_dim3A_50, %select_n3A_38 : vector<512x768xi1>, vector<512x768xf32>
    %get3A_52 = arith.constant 4 : index
    %get3A_53 = arith.constant 0 : index
    %get3A_54 = vector.load %arg4[%get3A_52, %get3A_53] : memref<6x768xf32, #tpu.memory_space<vmem>>, vector<1x768xf32>
    %get3A_55 = vector.shape_cast %get3A_54 : vector<1x768xf32> to vector<768xf32>
    %eq3A_56 = arith.constant 4 : i32
    %eq3A_57 = vector.broadcast %eq3A_56 : i32 to vector<512x1xi32>
    %eq3A_58 = arith.cmpi eq, %reshape3A, %eq3A_57 : vector<512x1xi32>
    %broadcast_in_dim3A_59 = vector.shape_cast %get3A_55 : vector<768xf32> to vector<1x768xf32>
    %broadcast_in_dim3A_60 = vector.shape_cast %eq3A_58 : vector<512x1xi1> to vector<512x1xi1>
    %broadcast_in_dim3A_61 = vector.broadcast %broadcast_in_dim3A_60 : vector<512x1xi1> to vector<512x768xi1>
    %broadcast_in_dim3A_62 = vector.shape_cast %broadcast_in_dim3A_59 : vector<1x768xf32> to vector<1x768xf32>
    %broadcast_in_dim3A_63 = vector.broadcast %broadcast_in_dim3A_62 : vector<1x768xf32> to vector<512x768xf32>
    %select_n3A_64 = arith.select %broadcast_in_dim3A_61, %broadcast_in_dim3A_63, %select_n3A_51 : vector<512x768xi1>, vector<512x768xf32>
    %get3A_65 = arith.constant 5 : index
    %get3A_66 = arith.constant 0 : index
    %get3A_67 = vector.load %arg4[%get3A_65, %get3A_66] : memref<6x768xf32, #tpu.memory_space<vmem>>, vector<1x768xf32>
    %get3A_68 = vector.shape_cast %get3A_67 : vector<1x768xf32> to vector<768xf32>
    %eq3A_69 = arith.constant 5 : i32
    %eq3A_70 = vector.broadcast %eq3A_69 : i32 to vector<512x1xi32>
    %eq3A_71 = arith.cmpi eq, %reshape3A, %eq3A_70 : vector<512x1xi32>
    %broadcast_in_dim3A_72 = vector.shape_cast %get3A_68 : vector<768xf32> to vector<1x768xf32>
    %broadcast_in_dim3A_73 = vector.shape_cast %eq3A_71 : vector<512x1xi1> to vector<512x1xi1>
    %broadcast_in_dim3A_74 = vector.broadcast %broadcast_in_dim3A_73 : vector<512x1xi1> to vector<512x768xi1>
    %broadcast_in_dim3A_75 = vector.shape_cast %broadcast_in_dim3A_72 : vector<1x768xf32> to vector<1x768xf32>
    %broadcast_in_dim3A_76 = vector.broadcast %broadcast_in_dim3A_75 : vector<1x768xf32> to vector<512x768xf32>
    %select_n3A_77 = arith.select %broadcast_in_dim3A_74, %broadcast_in_dim3A_76, %select_n3A_64 : vector<512x768xi1>, vector<512x768xf32>
    %get3A_78 = arith.constant 0 : index
    %get3A_79 = arith.constant 0 : index
    %get3A_80 = vector.load %arg1[%get3A_78, %get3A_79] : memref<512x768xf32, #tpu.memory_space<vmem>>, vector<512x768xf32>
    %add3A = arith.addf %get3A_80, %select_n3A_77 : vector<512x768xf32>
    %get3A_81 = arith.constant 0 : index
    %get3A_82 = arith.constant 0 : index
    %get3A_83 = vector.load %arg2[%get3A_81, %get3A_82] : memref<512x768xf32, #tpu.memory_space<vmem>>, vector<512x768xf32>
    %add3A_84 = arith.addf %get3A_83, %select_n3A_77 : vector<512x768xf32>
    %concatenate3A = tpu.concatenate %add3A, %add3A_84 in 1 : vector<512x768xf32>, vector<512x768xf32> -> vector<512x1536xf32>
    %get3A_85 = arith.constant 0 : index
    %get3A_86 = arith.constant 0 : index
    %get3A_87 = vector.load %arg5[%get3A_85, %get3A_86] : memref<32x1536xf32, #tpu.memory_space<vmem>>, vector<32x1536xf32>
    %dot_general3A = arith.constant dense<0.000000e+00> : vector<32x512xf32>
    %dot_general3A_88 = tpu.matmul %get3A_87, %concatenate3A, %dot_general3A {dimension_numbers = #tpu.dot_dimension_numbers<[1], [1], [0], [0], [0, 0, 1, 0], [], []>, transpose_lhs_hint = false} : vector<32x1536xf32>, vector<512x1536xf32>, vector<32x512xf32> -> vector<32x512xf32>
    %get3A_89 = arith.constant 0 : index
    %get3A_90 = vector.load %arg6[%get3A_89] : memref<32xf32, #tpu.memory_space<vmem>>, vector<32xf32>
    %broadcast_in_dim3A_91 = vector.shape_cast %get3A_90 : vector<32xf32> to vector<32x1xf32>
    %add3A_92 = vector.broadcast %broadcast_in_dim3A_91 : vector<32x1xf32> to vector<32x512xf32>
    %add3A_93 = arith.addf %dot_general3A_88, %add3A_92 : vector<32x512xf32>
    %swap3A = arith.constant 0 : index
    %swap3A_94 = arith.constant 0 : index
    %swap3A_95 = vector.load %arg7[%swap3A, %swap3A_94] : memref<32x512xf32, #tpu.memory_space<vmem>>, vector<32x512xf32>
    tpu.vector_store %arg7[%swap3A, %swap3A_94], %add3A_93 {strides = array<i32>} : memref<32x512xf32, #tpu.memory_space<vmem>>, vector<32x512xf32>,
    %reduce_max3A = arith.constant dense<0xFF800000> : vector<512xf32>
    %reduce_max3A_96 = vector.multi_reduction <maximumf>, %add3A_93, %reduce_max3A [0] : vector<32x512xf32> to vector<512xf32>
    %iota3A = tpu.iota {dimensions = array<i32: 0>} : vector<32x512xi32>
    %broadcast_in_dim3A_97 = vector.shape_cast %reduce_max3A_96 : vector<512xf32> to vector<1x512xf32>
    %eq3A_98 = vector.broadcast %broadcast_in_dim3A_97 : vector<1x512xf32> to vector<32x512xf32>
    %eq3A_99 = arith.cmpf oeq, %add3A_93, %eq3A_98 : vector<32x512xf32>
    %jit3A = arith.constant 32 : i32
    %broadcast_in_dim3A_100 = vector.broadcast %jit3A : i32 to vector<32x512xi32>
    %select_n3A_101 = arith.select %eq3A_99, %iota3A, %broadcast_in_dim3A_100 : vector<32x512xi1>, vector<32x512xi32>
    %reduce_min3A = arith.constant dense<2147483647> : vector<512xi32>
    %reduce_min3A_102 = vector.multi_reduction <minsi>, %select_n3A_101, %reduce_min3A [0] : vector<32x512xi32> to vector<512xi32>
    %swap3A_103 = arith.constant 0 : index
    %swap3A_104 = vector.load %arg8[%swap3A_103] : memref<512xi32, #tpu.memory_space<vmem>>, vector<512xi32>
    tpu.vector_store %arg8[%swap3A_103], %reduce_min3A_102 {strides = array<i32>} : memref<512xi32, #tpu.memory_space<vmem>>, vector<512xi32>,
    return
  }
  func.func @transform_0(%arg0: i32) -> (i32, i32) {
    %c0_i32 = arith.constant 0 : i32
    %c0_i32_0 = arith.constant 0 : i32
    return %arg0, %c0_i32 : i32, i32
  }
  func.func @transform_1(%arg0: i32) -> (i32, i32) {
    %c0_i32 = arith.constant 0 : i32
    %c0_i32_0 = arith.constant 0 : i32
    return %arg0, %c0_i32 : i32, i32
  }
  func.func @transform_2(%arg0: i32) -> i32 {
    %c0_i32 = arith.constant 0 : i32
    return %arg0 : i32
  }
  func.func @transform_3(%arg0: i32) -> (i32, i32) {
    %c0_i32 = arith.constant 0 : i32
    %c0_i32_0 = arith.constant 0 : i32
    %c0_i32_1 = arith.constant 0 : i32
    return %c0_i32, %c0_i32_0 : i32, i32
  }
  func.func @transform_4(%arg0: i32) -> (i32, i32) {
    %c0_i32 = arith.constant 0 : i32
    %c0_i32_0 = arith.constant 0 : i32
    %c0_i32_1 = arith.constant 0 : i32
    return %c0_i32, %c0_i32_0 : i32, i32
  }
  func.func @transform_5(%arg0: i32) -> i32 {
    %c0_i32 = arith.constant 0 : i32
    %c0_i32_0 = arith.constant 0 : i32
    return %c0_i32 : i32
  }
  func.func @transform_6(%arg0: i32) -> (i32, i32) {
    %c0_i32 = arith.constant 0 : i32
    %c0_i32_0 = arith.constant 0 : i32
    return %c0_i32, %arg0 : i32, i32
  }
  func.func @transform_7(%arg0: i32) -> i32 {
    %c0_i32 = arith.constant 0 : i32
    return %arg0 : i32
  }
}

</mosaic_0001>

<sc_bundles>
// kernel: kernel.4.cloned.1.call-start
scs
__scs_entry_jumppad:
0x0: {  	(pc) =	sbr.rel $0x88, $3  }
0x1: {  	(tag) =	ssettag $0x0;
	lr =	simm.s32 $0x1  }
0x2: {  	[smem:$0x3F99] =	sst lr;
	_ =	strace $0xD0000000  }
0x3: {  	_ = 	snop  }
0x4: {  	_ = 	snop  }
0x5: {  	_ = 	snop  }
0x6: {  	_ = 	snop  }
0x7: {  	_ = 	snop  }
__scs_overlays_trampoline_lowered:
0x8: {  	[smem:$0x3FA8] =	sst s0  }
0x9: {  	[smem:$0x3FA9] =	sst s1  }
0xa: {  	[smem:$0x3FAA] =	sst s2  }
0xb: {  	[smem:$0x3FAB] =	sst s3  }
0xc: {  	[smem:$0x3FAC] =	sst s4  }
0xd: {  	[smem:$0x3FAD] =	sst s5  }
0xe: {  	[smem:$0x3FAE] =	sst s6  }
0xf: {  	[smem:$0x3FAF] =	sst s7  }
0x10: {  	[smem:$0x3FB0] =	sst s8  }
0x11: {  	[smem:$0x3FB1] =	sst s9;
	s0 =	simm.s32 @!p0 $0x0  }
0x12: {  	s1 =	sld [smem:$0x3F97];
	s0 =	simm.s32 @p0 $0x1  }
0x13: {  	[smem:$0x3FB2] =	sst s0;
	s0 =	simm.s32 @!p1 $0x0  }
0x14: {  	s2 =	sld [smem:$0x3F96];
	s0 =	simm.s32 @p1 $0x1  }
0x15: {  	[smem:$0x3FB3] =	sst s0;
	s0 =	simm.s32 @!p2 $0x0  }
0x16: {  	s3 =	sld [smem:$0x3FDB];
	s0 =	simm.s32 @p2 $0x1  }
0x17: {  	s4 =	simm.s32 $0x1BF5;
	[smem:$0x3FB5] =	sst s0  }
0x18: {  	s0 =	sld [smem:$0x3F98];
	_ =	swait.ge [sflag:s4], $0x0  }
0x19: {  	s7 =	sld [smem:$0x3F99]  }
0x1a: {  	s8 =	sadd.s32 $0xFFFFE003, lr  }
0x1b: {  	s9 =	sadd.s32 $0xFFFFFEF7, lr;
	s5 =	simm.s32 $0xFFFFFFFF;
	p2 =	slt.u32 s8, $0xFFFFF086  }
0x1c: {  	p1 =	slt.u32 s9, $0xF7A;
	s5 =	simm.s32 @!p2 $0x0  }
0x1d: {  	s5 =	simm.s32 @p1 $0x1;
	p0 =	seq.s32 s7, s2  }
0x1e: {  	s7 =	smul.u32 @!p0 $0xF7A, s2;
	p2 =	seq.s32 @!p0 s5, $0x0  }
0x1f: {  	s9 =	smul.u32 $0xF7A, s1;
	s8 =	simm.s32 @!p0 $0x1BF5;
	p2 =	por !p2, p0  }
0x20: {  	[sflag:s8] =	ssyncset.s32 @!p0 $0xFFFFF086;
	s6 =	sadd.s32 @!p0 s3, s7;
	s7 =	simm.s32 @!p0 $0x108  }
0x21: {  	s3 =	sadd.s32 s3, s9;
	s6 =	sadd.s32 @!p0 $0x88, s6;
	s7 =	simm.s32 @p2 $0x1082  }
0x22: {  	[simem:s7], [sflag:s8] =	dma.local @!p0 [hbm:s6], $0xF7A  }
0x23: {  	s9 =	sor.u32 $0xD0000000, s2;
	s6 =	simm.s32 $0x108;
	_ =	swait.ge @!p0 [sflag:s8], $0x0  }
0x24: {  	s3 =	sadd.s32 $0x88, s3;
	s6 =	simm.s32 @!p1 $0x1082;
	[sflag:s4] =	ssyncset.s32 $0xFFFFF086  }
0x25: {  	[simem:s6], [sflag:s4] =	dma.local [hbm:s3], $0xF7A  }
0x26: {  	[smem:$0x3F99] =	sst s1;
	(tag) =	ssettag s2;
	_ =	strace s9  }
0x27: {  	s1 =	sld [smem:$0x3FA9]  }
0x28: {  	s2 =	sld [smem:$0x3FAA]  }
0x29: {  	s4 =	sld [smem:$0x3FAC]  }
0x2a: {  	p0 =	seq.s32 s5, $0x0;
	s5 =	sld [smem:$0x3FAD]  }
0x2b: {  	s6 =	sld [smem:$0x3FAE]  }
0x2c: {  	s7 =	sld [smem:$0x3FAF]  }
0x2d: {  	s3 =	simm.s32 $0x108;
	s8 =	sld [smem:$0x3FB0]  }
0x2e: {  	s3 =	simm.s32 @!p0 $0x1082;
	s9 =	sld [smem:$0x3FB1]  }
0x2f: {  	lr =	sadd.s32 s0, s3;
	s0 =	sld [smem:$0x3FA8]  }
0x30: {  	s3 =	sld [smem:$0x3FAB]  }
0x31: {  	[smem:$0x3FB4] =	sst s10  }
0x32: {  	s10 =	sld [smem:$0x3FB2];
	_ =	sdelay $0x3  }
0x33: {  	p0 =	seq.s32 s10, $0x1;
	s10 =	sld [smem:$0x3FB4];
	_ =	sdelay $0x3  }
0x34: {  	[smem:$0x3FB4] =	sst s10  }
0x35: {  	s10 =	sld [smem:$0x3FB3];
	_ =	sdelay $0x3  }
0x36: {  	p1 =	seq.s32 s10, $0x1;
	s10 =	sld [smem:$0x3FB4];
	_ =	sdelay $0x3  }
0x37: {  	[smem:$0x3FB4] =	sst s10  }
0x38: {  	s10 =	sld [smem:$0x3FB5]  }
0x39: {  	_ = 	snop;
	(pc) =	sbr.ind lr, $3  }
0x3a: {  	_ = 	snop  }
0x3b: {  	_ = 	snop  }
0x3c: {  	p2 =	seq.s32 s10, $0x1;
	s10 =	sld [smem:$0x3FB4]  }
0x3d: {  	_ =	shalt  }
0x3e: {  	_ =	shalt  }
0x3f: {  	_ =	shalt  }
0x40: {  	_ =	shalt  }
0x41: {  	_ =	shalt  }
0x42: {  	_ =	shalt  }
0x43: {  	_ =	shalt  }
0x44: {  	_ =	shalt  }
0x45: {  	_ =	shalt  }
0x46: {  	_ =	shalt  }
0x47: {  	_ =	shalt  }
0x48: {  	_ =	shalt  }
0x49: {  	_ =	shalt  }
0x4a: {  	_ =	shalt  }
0x4b: {  	_ =	shalt  }
0x4c: {  	_ =	shalt  }
0x4d: {  	_ =	shalt  }
0x4e: {  	_ =	shalt  }
0x4f: {  	_ =	shalt  }
0x50: {  	_ =	shalt  }
0x51: {  	_ =	shalt  }
0x52: {  	_ =	shalt  }
0x53: {  	_ =	shalt  }
0x54: {  	_ =	shalt  }
0x55: {  	_ =	shalt  }
0x56: {  	_ =	shalt  }
0x57: {  	_ =	shalt  }
0x58: {  	_ =	shalt  }
0x59: {  	_ =	shalt  }
0x5a: {  	_ =	shalt  }
0x5b: {  	_ =	shalt  }
0x5c: {  	_ =	shalt  }
0x5d: {  	_ =	shalt  }
0x5e: {  	_ =	shalt  }
0x5f: {  	_ =	shalt  }
0x60: {  	_ =	shalt  }
0x61: {  	_ =	shalt  }
0x62: {  	_ =	shalt  }
0x63: {  	_ =	shalt  }
0x64: {  	_ =	shalt  }
0x65: {  	_ =	shalt  }
0x66: {  	_ =	shalt  }
0x67: {  	_ =	shalt  }
0x68: {  	_ =	shalt  }
0x69: {  	_ =	shalt  }
0x6a: {  	_ =	shalt  }
0x6b: {  	_ =	shalt  }
0x6c: {  	_ =	shalt  }
0x6d: {  	_ =	shalt  }
0x6e: {  	_ =	shalt  }
0x6f: {  	_ =	shalt  }
0x70: {  	_ =	shalt  }
0x71: {  	_ =	shalt  }
0x72: {  	_ =	shalt  }
0x73: {  	_ =	shalt  }
0x74: {  	_ =	shalt  }
0x75: {  	_ =	shalt  }
0x76: {  	_ =	shalt  }
0x77: {  	_ =	shalt  }
0x78: {  	_ =	shalt  }
0x79: {  	_ =	shalt  }
0x7a: {  	_ =	shalt  }
0x7b: {  	_ =	shalt  }
0x7c: {  	_ =	shalt  }
0x7d: {  	_ =	shalt  }
0x7e: {  	_ =	shalt  }
0x7f: {  	_ =	shalt  }
0x80: {  	_ =	shalt  }
0x81: {  	_ =	shalt  }
0x82: {  	_ =	shalt  }
0x83: {  	_ =	shalt  }
0x84: {  	_ =	shalt  }
0x85: {  	_ =	shalt  }
0x86: {  	_ =	shalt  }
0x87: {  	_ =	shalt  }
.Lfunc_end0:
.L_simem_size_0:
called_computation_lowered:
.L_overlay_start_0:
0x88: {  	s2 =	sld [smem:$0x3FD9]  }
0x89: {  	s3 =	sld [smem:$0x3FFE];
	_ =	sdelay $0x1  }
0x8a: {  	s1 =	srdreg.scid  }
0x8b: {  	s0 =	sand.u32 $0x1, s1  }
0x8c: {  	s17 =	sshll.u32 s0, $0xA;
	s2 =	sadd.s32 s3, s2  }
0x8d: {  	s2 =	sadd.s32 s2, s17  }
0x8e: {  	[smem:$0x3FC0] =	sst s2  }
0x8f: {  	_ = 	snop  }
0x90: {  	s2 =	sld [smem:$0x3FC8]  }
0x91: {  	s18 =	sld [smem:$0x3FC7]  }
0x92: {  	s4 =	sld [smem:$0x3FC5];
	(tm) =	ssettm $0x1  }
0x93: {  	s5 =	sld [smem:$0x3FFB];
	_ =	sdelay $0x3  }
0x94: {  	_ =	strace s5  }
0x95: {  	s5 =	sld [smem:$0x3FFC];
	_ =	sdelay $0x3  }
0x96: {  	_ =	strace s5  }
0x97: {  	s5 =	sld [smem:$0x3FFD];
	_ =	sdelay $0x3  }
0x98: {  	_ =	strace s5  }
0x99: {  	_ =	strace $0x8FFFFFFF  }
0x9a: {  	s19 =	sld [smem:$0x3FDB];
	_ =	sdelay $0x1  }
0x9b: {  	s6 =	simm.s32 $_scs_section_size  }
0x9c: {  	s7 =	simm.s32 $_size__tile_overlayer_lowered;
	s8 =	simm.s32 $_tile_overlayer_lowered  }
0x9d: {  	s22 =	simm.s32 $0x1BFF;
	s21 =	sshll.u32 s8, $0x1;
	s5 =	sadd.s32 s6, s19  }
0x9e: {  	s9 =	simm.s32 $0x0;
	s20 =	sshll.u32 s7, $0x1;
	s7 =	sadd.s32 s21, s5  }
0x9f: {  	[timem:s9], [sflag:s22] =	dma.local [hbm:s7], s20  }
0xa0: {  	_ =	swait.ge [sflag:s22], s20  }
0xa1: {  	s6 =	ssub.s32 $0x0, s20;
	[sflag:s22] =	ssyncset.done $0x0  }
0xa2: {  	[sflag:s22] =	ssyncadd.s32 s6;
	_ =	sdelay $0x1  }
0xa3: {  	s23 =	simm.s32 $0x1B8B  }
0xa4: {  	_ =	swait.ge [sflag:s23], $0x1  }
0xa5: {  	[sflag:s23] =	ssyncset.done $0x0  }
0xa6: {  	s25 =	simm.s32 $0x1B8E;
	s24 =	sld [smem:$0x3FFE];
	[sflag:s23] =	ssyncadd.s32 $0xFFFFFFFF  }
0xa7: {  	s26 =	simm.s32 $execute0_lowered;
	[smem:$0x3FD2] =	sst s25  }
0xa8: {  	s7 =	sshll.u32 s26, $0x1;
	_ =	strace $0x80000046;
	[dreg:$0x1] =	wrdreg $0xFFFFFFFF  }
0xa9: {  	s28 =	simm.s32 $_size_execute0_lowered;
	s5 =	sadd.s32 s5, s7;
	[dreg:$0x0] =	wrdreg $0x0  }
0xaa: {  	s7 =	sshll.u32 s28, $0x1;
	[dreg:$0x2] =	wrdreg s5  }
0xab: {  	[dreg:$0x3] =	wrdreg s7  }
0xac: {  	[dreg:$0x4] =	wrdreg $0xC0  }
0xad: {  	_ =	task [dreg:s9], $0x5FFFF  }
0xae: {  	[dreg:$0x1] =	wrdreg $0xFFFFFFFF  }
0xaf: {  	[dreg:$0x0] =	wrdreg $0x60  }
0xb0: {  	[dreg:$0x2] =	wrdreg s24  }
0xb1: {  	[dreg:$0x3] =	wrdreg s2  }
0xb2: {  	[dreg:$0x4] =	wrdreg s18  }
0xb3: {  	[dreg:$0x5] =	wrdreg s4  }
0xb4: {  	[dreg:$0x6] =	wrdreg $0x9  }
0xb5: {  	_ =	task.clear_ibuf [dreg:s9], $0x7FFFF;
	_ =	strace $0x90000046  }
0xb6: {  	s29 =	simm.s32 $0x9;
	_ =	strace $0x80000048  }
0xb7: {  	_ =	swait.ge [sflag:s29], $0x1  }
0xb8: {  	[sflag:s29] =	ssyncadd.s32 $0xFFFFFFFF  }
0xb9: {  	_ =	strace $0x90000048  }
0xba: {  	_ =	sfence  }
0xbb: {  	s30 =	sld [smem:$0x0];
	_ =	sdelay $0x2  }
0xbc: {  	s31 =	sshll.u32 s1, $0xD;
	s1 =	sshrl.u32 s1, $0x2  }
0xbd: {  	s3 =	sand.u32 $0x4000, s31;
	s1 =	sadd.s32 s1, s30  }
0xbe: {  	s0 =	sor.u32 s3, s0;
	s1 =	sshll.u32 s1, $0x11  }
0xbf: {  	s0 =	sor.u32 s1, s0  }
0xc0: {  	s0 =	sadd.s32 $0x8F2B, s0  }
0xc1: {  	[sflag:s0] =	ssyncadd.remote.s32 $0x1  }
0xc2: {  	_ =	sfence.sel $0xFFFF  }
0xc3: {  	[dreg:$0x0] =	wrdreg $0xFFFFFFFF;
	(pc) =	sbr.abs _section_cstart, $3  }
0xc4: {  	[dreg:$0x1] =	wrdreg $0xFFFFFFFF  }
0xc5: {  	_ =	task.clear_ibuf [dreg:s9], $0x2FFFF;
	_ =	strace $0x9FFFFFFF  }
0xc6: {  	(tm) =	ssettm $0x7FFFFFFF  }
0xc7: {  	_ =	shalt  }
tec
execute0_lowered:
.L_overlay_start_1:
0x0: {  	(tag) =	ssettag $0x1  }
0x1: {  	s1 =	rddreg [dreg:$0x0];
	s2 =	srdreg.scid  }
0x2: {  	s5 =	rddreg [dreg:$0x1];
	s0 =	stileid.u32  }
0x3: {  	s7 =	rddreg [dreg:$0x2];
	s19 =	simm.s32 $0x80;
	s20 =	simm.s32 $0x100  }
0x4: {  	s21 =	simm.s32 $0x200;
	s22 =	simm.s32 $0x180;
	s23 =	simm.s32 $0x280  }
0x5: {  	s24 =	simm.s32 $0xB00;
	s10 =	simm.s32 $0x2;
	s25 =	simm.s32 $0x1300  }
0x6: {  	s26 =	simm.s32 $0x1B00;
	s14 =	simm.s32 $0x3300;
	s6 =	sand.u32 $0x1, s2  }
0x7: {  	s15 =	simm.s32 $0x3B00;
	s3 =	sshll.u32 s0, $0x6;
	s4 =	sshll.u32 s6, $0x5  }
0x8: {  	s2 =	rddreg [dreg:$0x3];
	s11 =	sor.u32 s4, s3;
	s3 =	simm.s32 $0x0  }
0x9: {  	s28 =	simm.s32 $0x9B00;
	s29 =	simm.s32 $0xA300;
	[smem:$0x7FF] =	sst s3  }
0xa: {  	s30 =	simm.s32 $0xAB00;
	_ =	strace $0x80000047;
	[dreg:$0x9] =	wrdreg s19  }
0xb: {  	s31 =	simm.s32 $0xB300;
	s6 =	ssub.s32 $0x2, s6;
	[dreg:$0xa] =	wrdreg s20  }
0xc: {  	s4 =	sadd.s32 $0x1600, s1;
	s17 =	sshrl.u32 s6, $0x1;
	[dreg:$0xb] =	wrdreg s21  }
0xd: {  	s8 =	sshrl.u32 s11, $0x3;
	s12 =	sor.u32 $0x10, s11;
	[dreg:$0xc] =	wrdreg s22  }
0xe: {  	v0 =	vmov s11;
	s11 =	simm.s32 $0x300;
	s9 =	smul.u32 $0x300, s8;
	[dreg:$0xd] =	wrdreg s23  }
0xf: {  	s5 =	sadd.s32 s5, s8;
	s16 =	sadd.s32 s7, s8;
	[dreg:$0xe] =	wrdreg s24  }
0x10: {  	s7 =	ssub.s32 s6, s17;
	s6 =	sadd.s32 $0x200, s2;
	[dreg:$0xf] =	wrdreg s25  }
0x11: {  	s8 =	simm.s32 $0x1;
	[dreg:$0x10] =	wrdreg s26;
	s17 =	simm.s32 $0x4B00  }
0x12: {  	s19 =	simm.s32 $0x5B00;
	s20 =	simm.s32 $0x6300;
	s21 =	simm.s32 $0x6B00  }
0x13: {  	v0 =	vmul.u32 $0x32, v0;
	v1 =	vmov s12;
	s22 =	simm.s32 $0x7300;
	s23 =	simm.s32 $0x7B00;
	s24 =	simm.s32 $0x8300  }
0x14: {  	v4 =	vlaneseq.u32;
	s25 =	simm.s32 $0x8B00;
	s26 =	simm.s32 $0x9300;
	[dreg:$0x5] =	wrdreg s5;
	v1 =	vmul.u32 $0x32, v1  }
0x15: {  	v2 =	vmul.u32 $0x32, v4;
	[dreg:$0x6] =	wrdreg s16;
	s5 =	sadd.s32 $0x100, s2;
	s1 =	sadd.s32 s9, s1;
	v0 =	vbroadcast v0, $0x0  }
0x16: {  	v3 =	vshrl.u32 v4, $0x3;
	s7 =	smax.u32 s7, $0x1;
	s16 =	simm.s32 $0x4300;
	s18 =	sadd.s32 $0x3000, s1;
	v1 =	vbroadcast v1, $0x0  }
0x17: {  	vm0 =	vmmov $0xffff;
	v3 =	vmul.u32 $0x8, v3;
	s9 =	simm.s32 $0x20;
	s1 =	sadd.s32 $0x1B000, s1;
	[dreg:$0x7] =	wrdreg s18;
	v0 =	vadd.s32 v2, v0  }
0x18: {  	[dreg:$0x8] =	wrdreg s1;
	s18 =	simm.s32 $0x5300;
	s1 =	simm.s32 $0xBB00;
	v1 =	vadd.s32 v2, v1;
	v2 =	vand.u32 $0x7, v4;
	v4 =	vor.u32 $0x8, v4  }
.LBB2_1:
0x19: {  	s0 =	rddreg [dreg:$0x5]  }
0x1a: {  	s12 =	rddreg [dreg:$0x6]  }
0x1b: {  	[tilespmem:s3], [sflag:$0x1] =	stream.linear.gather [hbm4b:s0+s3], $0x20, $0x38;
	[tilespmem:$0xC300] =	vst v63  }
0x1c: {  	s13 =	rddreg [dreg:$0x9]  }
0x1d: {  	[tilespmem:s13], [sflag:$0x2] =	stream.linear.gather [hbm4b:s12+s3], $0x20, $0x38;
	[tilespmem:$0xC300] =	vst v63  }
0x1e: {  	_ =	swait.ge [sflag:s8], $0x20  }
0x1f: {  	[sflag:s8] =	ssyncset.done $0x0  }
0x20: {  	[sflag:s8] =	ssyncadd.s32 $0xFFFFFFE0  }
0x21: {  	v5 =	vld [tilespmem:$0x0]  }
0x22: {  	v6 =	vld [tilespmem:$0x10];
	_ =	sdelay $0x3  }
0x23: {  	v5 =	vadd.s32 v0, v5  }
0x24: {  	s12 =	rddreg [dreg:$0xa];
	[tilespmem:$0x100] =	vst v5;
	v5 =	vadd.s32 v1, v6  }
0x25: {  	s13 =	rddreg [dreg:$0xb];
	[tilespmem:$0x110] =	vst v5  }
0x26: {  	[tilespmem:s13], [sflag:$0x1] =	stream.indirect.gather [hbm4b:s4+s9], $0x1, s12, s9, $0xb8;
	[tilespmem:$0xC300] =	vst v63  }
0x27: {  	_ =	swait.ge [sflag:s10], $0x20  }
0x28: {  	[sflag:s10] =	ssyncset.done $0x0  }
0x29: {  	[sflag:s10] =	ssyncadd.s32 $0xFFFFFFE0  }
0x2a: {  	v5 =	vld [tilespmem:$0x80]  }
0x2b: {  	v6 =	vld [tilespmem:$0x90];
	_ =	sdelay $0x3  }
0x2c: {  	v5 =	vadd.s32 v0, v5  }
0x2d: {  	s12 =	rddreg [dreg:$0xc];
	[tilespmem:$0x180] =	vst v5;
	v5 =	vadd.s32 v1, v6  }
0x2e: {  	s13 =	rddreg [dreg:$0xd];
	[tilespmem:$0x190] =	vst v5  }
0x2f: {  	[tilespmem:s13], [sflag:$0x2] =	stream.indirect.gather [hbm4b:s4+s9], $0x1, s12, s9, $0xb8;
	[tilespmem:$0xC300] =	vst v63  }
0x30: {  	_ =	swait.ge [sflag:s8], $0x20  }
0x31: {  	[sflag:s8] =	ssyncset.done $0x0  }
0x32: {  	[sflag:s8] =	ssyncadd.s32 $0xFFFFFFE0  }
0x33: {  	v5 =	vld [tilespmem:$0x200];
	_ =	sdelay $0x4  }
0x34: {  	v6 =	vshrl.u32 v5, $0x3  }
0x35: {  	v6 =	vmul.u32 $0x30, v6  }
0x36: {  	v5 =	vand.u32 $0x7, v5  }
0x37: {  	v5 =	vor.u32 v5, v6  }
0x38: {  	v6 =	vperm.xlane v5, v2;
	_ =	sdelay $0x1  }
0x39: {  	v6 =	vadd.s32 v3, v6;
	_ =	sdelay $0x3  }
0x3a: {  	v5 =	vperm.xlane v5, v4  }
0x3b: {  	[tilespmem:s11], [sflag:$0x1] =	stream.indirect_vreg.gather [hbm4b:s2+s3], $0x80, v6, vm0, $0xb8;
	[tilespmem:$0xC300] =	vst v63  }
0x3c: {  	s13 =	rddreg [dreg:$0xe];
	v5 =	vadd.s32 v3, v5  }
0x3d: {  	[tilespmem:s13], [sflag:$0x1] =	stream.indirect_vreg.gather [hbm4b:s5+s3], $0x80, v6, vm0, $0xb8;
	[tilespmem:$0xC300] =	vst v63  }
0x3e: {  	s12 =	rddreg [dreg:$0xf]  }
0x3f: {  	[tilespmem:s12], [sflag:$0x1] =	stream.indirect_vreg.gather [hbm4b:s6+s3], $0x80, v6, vm0, $0xb8;
	[tilespmem:$0xC300] =	vst v63  }
0x40: {  	s13 =	rddreg [dreg:$0x10]  }
0x41: {  	[tilespmem:s13], [sflag:$0x1] =	stream.indirect_vreg.gather [hbm4b:s2+s3], $0x80, v5, vm0, $0xb8;
	[tilespmem:$0xC300] =	vst v63  }
0x42: {  	s12 =	simm.s32 $0x2300  }
0x43: {  	[tilespmem:s12], [sflag:$0x1] =	stream.indirect_vreg.gather [hbm4b:s5+s3], $0x80, v5, vm0, $0xb8;
	[tilespmem:$0xC300] =	vst v63  }
0x44: {  	s13 =	simm.s32 $0x2B00  }
0x45: {  	[tilespmem:s13], [sflag:$0x1] =	stream.indirect_vreg.gather [hbm4b:s6+s3], $0x80, v5, vm0, $0xb8;
	[tilespmem:$0xC300] =	vst v63  }
0x46: {  	v5 =	vld [tilespmem:$0x210];
	_ =	sdelay $0x4  }
0x47: {  	v6 =	vshrl.u32 v5, $0x3  }
0x48: {  	v6 =	vmul.u32 $0x30, v6  }
0x49: {  	v5 =	vand.u32 $0x7, v5  }
0x4a: {  	v5 =	vor.u32 v5, v6  }
0x4b: {  	v6 =	vperm.xlane v5, v2;
	_ =	sdelay $0x1  }
0x4c: {  	v6 =	vadd.s32 v3, v6;
	_ =	sdelay $0x3  }
0x4d: {  	v5 =	vperm.xlane v5, v4  }
0x4e: {  	[tilespmem:s14], [sflag:$0x1] =	stream.indirect_vreg.gather [hbm4b:s2+s3], $0x80, v6, vm0, $0xb8;
	[tilespmem:$0xC300] =	vst v63  }
0x4f: {  	v5 =	vadd.s32 v3, v5  }
0x50: {  	[tilespmem:s15], [sflag:$0x1] =	stream.indirect_vreg.gather [hbm4b:s5+s3], $0x80, v6, vm0, $0xb8;
	[tilespmem:$0xC300] =	vst v63  }
0x51: {  	_ = 	snop  }
0x52: {  	[tilespmem:s16], [sflag:$0x1] =	stream.indirect_vreg.gather [hbm4b:s6+s3], $0x80, v6, vm0, $0xb8;
	[tilespmem:$0xC300] =	vst v63  }
0x53: {  	_ = 	snop  }
0x54: {  	[tilespmem:s17], [sflag:$0x1] =	stream.indirect_vreg.gather [hbm4b:s2+s3], $0x80, v5, vm0, $0xb8;
	[tilespmem:$0xC300] =	vst v63  }
0x55: {  	_ = 	snop  }
0x56: {  	[tilespmem:s18], [sflag:$0x1] =	stream.indirect_vreg.gather [hbm4b:s5+s3], $0x80, v5, vm0, $0xb8;
	[tilespmem:$0xC300] =	vst v63  }
0x57: {  	_ = 	snop  }
0x58: {  	[tilespmem:s19], [sflag:$0x1] =	stream.indirect_vreg.gather [hbm4b:s6+s3], $0x80, v5, vm0, $0xb8;
	[tilespmem:$0xC300] =	vst v63  }
0x59: {  	_ =	swait.ge [sflag:s10], $0x20  }
0x5a: {  	[sflag:s10] =	ssyncset.done $0x0  }
0x5b: {  	[sflag:s10] =	ssyncadd.s32 $0xFFFFFFE0  }
0x5c: {  	v5 =	vld [tilespmem:$0x280];
	_ =	sdelay $0x4  }
0x5d: {  	v6 =	vshrl.u32 v5, $0x3  }
0x5e: {  	v6 =	vmul.u32 $0x30, v6  }
0x5f: {  	v5 =	vand.u32 $0x7, v5  }
0x60: {  	v5 =	vor.u32 v5, v6  }
0x61: {  	v6 =	vperm.xlane v5, v2;
	_ =	sdelay $0x1  }
0x62: {  	v6 =	vadd.s32 v3, v6;
	_ =	sdelay $0x3  }
0x63: {  	v5 =	vperm.xlane v5, v4  }
0x64: {  	[tilespmem:s20], [sflag:$0x2] =	stream.indirect_vreg.gather [hbm4b:s2+s3], $0x80, v6, vm0, $0xb8;
	[tilespmem:$0xC300] =	vst v63  }
0x65: {  	v5 =	vadd.s32 v3, v5  }
0x66: {  	[tilespmem:s21], [sflag:$0x2] =	stream.indirect_vreg.gather [hbm4b:s5+s3], $0x80, v6, vm0, $0xb8;
	[tilespmem:$0xC300] =	vst v63  }
0x67: {  	_ = 	snop  }
0x68: {  	[tilespmem:s22], [sflag:$0x2] =	stream.indirect_vreg.gather [hbm4b:s6+s3], $0x80, v6, vm0, $0xb8;
	[tilespmem:$0xC300] =	vst v63  }
0x69: {  	_ = 	snop  }
0x6a: {  	[tilespmem:s23], [sflag:$0x2] =	stream.indirect_vreg.gather [hbm4b:s2+s3], $0x80, v5, vm0, $0xb8;
	[tilespmem:$0xC300] =	vst v63  }
0x6b: {  	_ = 	snop  }
0x6c: {  	[tilespmem:s24], [sflag:$0x2] =	stream.indirect_vreg.gather [hbm4b:s5+s3], $0x80, v5, vm0, $0xb8;
	[tilespmem:$0xC300] =	vst v63  }
0x6d: {  	_ = 	snop  }
0x6e: {  	[tilespmem:s25], [sflag:$0x2] =	stream.indirect_vreg.gather [hbm4b:s6+s3], $0x80, v5, vm0, $0xb8;
	[tilespmem:$0xC300] =	vst v63  }
0x6f: {  	v5 =	vld [tilespmem:$0x290];
	_ =	sdelay $0x4  }
0x70: {  	v6 =	vshrl.u32 v5, $0x3  }
0x71: {  	v6 =	vmul.u32 $0x30, v6  }
0x72: {  	v5 =	vand.u32 $0x7, v5  }
0x73: {  	v5 =	vor.u32 v5, v6  }
0x74: {  	v6 =	vperm.xlane v5, v2;
	_ =	sdelay $0x1  }
0x75: {  	v6 =	vadd.s32 v3, v6;
	_ =	sdelay $0x3  }
0x76: {  	v5 =	vperm.xlane v5, v4  }
0x77: {  	[tilespmem:s26], [sflag:$0x2] =	stream.indirect_vreg.gather [hbm4b:s2+s3], $0x80, v6, vm0, $0xb8;
	[tilespmem:$0xC300] =	vst v63  }
0x78: {  	v5 =	vadd.s32 v3, v5  }
0x79: {  	[tilespmem:s28], [sflag:$0x2] =	stream.indirect_vreg.gather [hbm4b:s5+s3], $0x80, v6, vm0, $0xb8;
	[tilespmem:$0xC300] =	vst v63  }
0x7a: {  	_ = 	snop  }
0x7b: {  	[tilespmem:s29], [sflag:$0x2] =	stream.indirect_vreg.gather [hbm4b:s6+s3], $0x80, v6, vm0, $0xb8;
	[tilespmem:$0xC300] =	vst v63  }
0x7c: {  	_ = 	snop  }
0x7d: {  	[tilespmem:s30], [sflag:$0x2] =	stream.indirect_vreg.gather [hbm4b:s2+s3], $0x80, v5, vm0, $0xb8;
	[tilespmem:$0xC300] =	vst v63  }
0x7e: {  	_ = 	snop  }
0x7f: {  	[tilespmem:s31], [sflag:$0x2] =	stream.indirect_vreg.gather [hbm4b:s5+s3], $0x80, v5, vm0, $0xb8;
	[tilespmem:$0xC300] =	vst v63  }
0x80: {  	_ = 	snop  }
0x81: {  	[tilespmem:s1], [sflag:$0x2] =	stream.indirect_vreg.gather [hbm4b:s6+s3], $0x80, v5, vm0, $0xb8;
	[tilespmem:$0xC300] =	vst v63  }
0x82: {  	_ =	swait.ge [sflag:s8], $0x6000  }
0x83: {  	[sflag:s8] =	ssyncset.done $0x0  }
0x84: {  	s12 =	rddreg [dreg:$0x7];
	[sflag:s8] =	ssyncadd.s32 $0xFFFFA000  }
0x85: {  	[hbm4b:s12+s3] =	stream.linear.scatter [tilespmem:s11], [sflag:$0x1], $0x6000, $0x38;
	[tilespmem:$0xC300] =	vst v63  }
0x86: {  	_ =	swait.ge [sflag:s10], $0x6000  }
0x87: {  	[sflag:s10] =	ssyncset.done $0x0  }
0x88: {  	s13 =	rddreg [dreg:$0x8];
	[sflag:s10] =	ssyncadd.s32 $0xFFFFA000  }
0x89: {  	[hbm4b:s13+s3] =	stream.linear.scatter [tilespmem:s20], [sflag:$0x2], $0x6000, $0x38;
	[tilespmem:$0xC300] =	vst v63  }
0x8a: {  	p0 =	sne.s32 s7, $0x1;
	_ =	swait.ge [sflag:s8], $0x6000  }
.Ltmp0:
0x8b: {  	[sflag:s8] =	ssyncset.done $0x0;
	(pc) =	sbr.rel @p0 .LBB2_1-.Ltmp0, $4  }
0x8c: {  	[sflag:s8] =	ssyncadd.s32 $0xFFFFA000  }
0x8d: {  	_ =	swait.ge [sflag:s10], $0x6000  }
0x8e: {  	[sflag:s10] =	ssyncset.done $0x0  }
0x8f: {  	s7 =	sadd.s32 $0xFFFFFFFF, s7;
	[sflag:s10] =	ssyncadd.s32 $0xFFFFA000  }
0x90: {  	_ =	sfence.sel $0x180000  }
0x91: {  	[bflag:$0x0] =	sbarrier.arrive $0xFFFF  }
0x92: {  	_ =	strace $0x90000047  }
0x93: {  	s0 =	stileid.u32;
	[bflag:$0x2] =	sbarrier.arrive $0xFFFF  }
0x94: {  	p0 =	sne.s32 s0, $0x0;
	s0 =	rddreg [dreg:$0x4]  }
0x95: {  	s0 =	sadd.s32 @!p0 $0x100000, s0  }
0x96: {  	[sflag:s0] =	ssyncadd.tile.s32 @!p0 $0x1;
	_ =	shalt  }
.Lfunc_end2:
_tile_overlayer_lowered:
.L_overlay_start_2:
0x97: {  	(tag) =	ssettag $0x2  }
0x98: {  	s0 =	rddreg [dreg:$0x0];
	s2 =	stileid.u32  }
0x99: {  	s1 =	rddreg [dreg:$0x1];
	p0 =	sne.s32 s2, $0x0  }
0x9a: {  	s3 =	rddreg [dreg:$0x2];
	[bflag:$0x3] =	sbarrier.arrive $0xFFFF;
	s2 =	simm.s32 @!p0 $0x1C03  }
0x9b: {  	[timem:s3], [sflag:s2] =	dma.local @!p0 [hbm:s0], s1  }
0x9c: {  	s0 =	simm.s32 @!p0 $0x3  }
0x9d: {  	_ =	swait.ge @!p0 [sflag:s0], s1  }
0x9e: {  	s1 =	ssub.s32 @!p0 $0x0, s1;
	[sflag:s0] =	ssyncset.done @!p0 $0x0  }
0x9f: {  	[sflag:s0] =	ssyncadd.s32 @!p0 s1  }
0xa0: {  	[bflag:$0x3] =	sbarrier.arrive $0xFFFF  }
0xa1: {  	_ =	shalt  }

</sc_bundles>
